<compile_context>
chip_gen: v7x
topology: tpu7x:2x2x1
jax: 0.10.2.dev20260603
libtpu: 0.0.44.dev20260713+nightly
codegen_flags: <defaults>
</compile_context>

<pallas_src>
import functools

import jax
import jax.numpy as jnp
from jax import lax
from jax.experimental import pallas as pl
from jax.experimental.pallas import tpu as pltpu
from jax.experimental.pallas import tpu_sc as plsc

NUM_EMB = 100000
DIM = 128
BATCH = 1024
HIST = 200

TOTAL = BATCH * HIST
CHUNK = 128
NUM_WORKERS = 32
ROWS_PER_W = TOTAL // (NUM_WORKERS * CHUNK)

NBUF = 5
GAHEAD = 3
SLACK = NBUF - GAHEAD
STEADY = ROWS_PER_W - GAHEAD - SLACK


@functools.partial(
    pl.kernel,
    out_type=jax.ShapeDtypeStruct((TOTAL, DIM), jnp.float32),
    mesh=plsc.VectorSubcoreMesh(core_axis_name="c", subcore_axis_name="s"),
    scratch_types=(
        [pltpu.VMEM((ROWS_PER_W, CHUNK), jnp.int32)]
        + [pltpu.VMEM((CHUNK, DIM), jnp.float32) for _ in range(NBUF)]
        + [pltpu.SemaphoreType.DMA for _ in range(2 * NBUF)]
    ),
)
def _gather_kernel(table_hbm, idx_hbm, out_hbm, idx_v, *bufs_and_sems):
    bufs = bufs_and_sems[:NBUF]
    gsems = bufs_and_sems[NBUF:2 * NBUF]
    ssems = bufs_and_sems[2 * NBUF:]

    c = lax.axis_index("c")
    s = lax.axis_index("s")
    wid = s * 2 + c
    row0 = wid * ROWS_PER_W
    pltpu.sync_copy(idx_hbm.at[wid], idx_v)

    def gather_copy(j, b):
        return pltpu.make_async_copy(
            table_hbm.at[idx_v.at[j]], bufs[b], gsems[b])

    def store_copy(j, b):
        return pltpu.make_async_copy(
            bufs[b], out_hbm.at[pl.ds((row0 + j) * CHUNK, CHUNK)], ssems[b])

    for j in range(GAHEAD):
        gather_copy(j, j % NBUF).start()

    for j in range(SLACK):
        gather_copy(j + GAHEAD, (j + GAHEAD) % NBUF).start()
        gather_copy(j, j % NBUF).wait()
        store_copy(j, j % NBUF).start()

    def steady(k, carry):
        j0 = SLACK + k * NBUF
        for b in range(NBUF):
            j = j0 + b
            store_copy(j - SLACK, b).wait()
            gather_copy(j + GAHEAD, b).start()
            bj = (SLACK + b) % NBUF
            gather_copy(j, bj).wait()
            store_copy(j, bj).start()
        return carry

    lax.fori_loop(0, STEADY // NBUF, steady, 0)

    for j in range(ROWS_PER_W - GAHEAD, ROWS_PER_W):
        gather_copy(j, j % NBUF).wait()
        store_copy(j, j % NBUF).start()

    for j in range(ROWS_PER_W - NBUF, ROWS_PER_W):
        store_copy(j, j % NBUF).wait()


def kernel(indices, embedding):
    idx3d = indices.reshape(NUM_WORKERS, ROWS_PER_W, CHUNK).astype(jnp.int32)
    out = _gather_kernel(embedding, idx3d)
    return out.reshape(BATCH, HIST, DIM)

# --- scband reference (transcript-rebuilt; emitter-appended) ---
"""Pipeline reference for scband-insulated-embedding-20744692040067 (READ-ONLY COPY).

The authoritative reference and input builder live on the scoring server;
editing this copy changes nothing except your own understanding.
"""

import jax, jax.numpy as jnp
import numpy as np

NUM_EMBEDDINGS = 100000
EMBEDDING_DIM = 128
BATCH = 1024
HIST_LEN = 200


def setup_inputs(seed: int = 0) -> dict:
    key = jax.random.key(seed)
    k_idx, k_emb = jax.random.split(key)
    indices = jax.random.randint(k_idx, (BATCH, HIST_LEN), 0, NUM_EMBEDDINGS)
    # Learned embedding table, initialized as in the module: normal * 0.02
    embedding = jax.random.normal(k_emb, (NUM_EMBEDDINGS, EMBEDDING_DIM), dtype=jnp.float32) * 0.02
    return {"indices": indices, "embedding": embedding}


def reference(indices, embedding):
    # InsulatedEmbedding.__call__: gather then apply knowledge insulation.
    # config.mode == 'full' (the default) -> stop_gradient on the looked-up tokens.
    tokens = jnp.take(embedding, indices, axis=0)
    tokens = jax.lax.stop_gradient(tokens)
    return tokens

if __name__ == "__main__":
    import jax
    _d = setup_inputs()
    print(jax.jit(kernel)(*tuple(_d.values())))

</pallas_src>

<mosaic_0001>
#map = affine_map<(d0, d1) -> (0, 0)>
#map1 = affine_map<(d0, d1) -> (0, 0, 0)>
module attributes {stable_mosaic.version = 14 : i64} {
  func.func @_gather_kernel(%arg0: i32, %arg1: i32, %arg2: memref<100000x128xf32, #tpu.memory_space<hbm>>, %arg3: memref<32x50x128xi32, #tpu.memory_space<hbm>>, %arg4: memref<204800x128xf32, #tpu.memory_space<hbm>>, %arg5: memref<50x128xi32, #tpu.memory_space<vmem>>, %arg6: memref<128x128xf32, #tpu.memory_space<vmem>>, %arg7: memref<128x128xf32, #tpu.memory_space<vmem>>, %arg8: memref<128x128xf32, #tpu.memory_space<vmem>>, %arg9: memref<128x128xf32, #tpu.memory_space<vmem>>, %arg10: memref<128x128xf32, #tpu.memory_space<vmem>>, %arg11: memref<!tpu.dma_semaphore, #tpu.memory_space<semaphore_mem>>, %arg12: memref<!tpu.dma_semaphore, #tpu.memory_space<semaphore_mem>>, %arg13: memref<!tpu.dma_semaphore, #tpu.memory_space<semaphore_mem>>, %arg14: memref<!tpu.dma_semaphore, #tpu.memory_space<semaphore_mem>>, %arg15: memref<!tpu.dma_semaphore, #tpu.memory_space<semaphore_mem>>, %arg16: memref<!tpu.dma_semaphore, #tpu.memory_space<semaphore_mem>>, %arg17: memref<!tpu.dma_semaphore, #tpu.memory_space<semaphore_mem>>, %arg18: memref<!tpu.dma_semaphore, #tpu.memory_space<semaphore_mem>>, %arg19: memref<!tpu.dma_semaphore, #tpu.memory_space<semaphore_mem>>, %arg20: memref<!tpu.dma_semaphore, #tpu.memory_space<semaphore_mem>>) attributes {dimension_semantics = [#tpu.dimension_semantics<core_parallel>, #tpu.dimension_semantics<subcore_parallel>], iteration_bounds = array<i64: 2, 16>, scalar_prefetch = 0 : i64, scratch_operands = 16 : i64, tpu.core_type = #tpu.core_type<sc_vector_subcore>, window_params = [{transform_indices = #map}, {transform_indices = #map1}, {transform_indices = #map}]} {
    %mul3A = arith.constant 2 : i32
    %mul3A_0 = arith.muli %arg1, %mul3A : i32
    %add3A = arith.addi %mul3A_0, %arg0 : i32
    %mul3A_1 = arith.constant 50 : i32
    %mul3A_2 = arith.muli %add3A, %mul3A_1 : i32
    "tpu.region"() ({
      %run_scoped3A = tpu.sem_alloc : memref<!tpu.dma_semaphore, #tpu.memory_space<semaphore_mem>>
      %dma_start3A_156 = arith.constant 0 : i32
      %dma_start3A_157 = arith.constant 0 : i32
      %dma_start3A_158 = tpu.memref_slice %arg3[%add3A, %dma_start3A_156, %dma_start3A_157] : memref<32x50x128xi32, #tpu.memory_space<hbm>> -> memref<1x50x128xi32, #tpu.memory_space<hbm>>
      %dma_start3A_159 = tpu.memref_squeeze %dma_start3A_158 : memref<1x50x128xi32, #tpu.memory_space<hbm>> -> memref<50x128xi32, #tpu.memory_space<hbm>>
      %dma_start3A_160 = arith.constant 0 : i32
      %dma_start3A_161 = arith.constant 0 : i32
      %dma_start3A_162 = tpu.memref_slice %arg3[%add3A, %dma_start3A_160, %dma_start3A_161] : memref<32x50x128xi32, #tpu.memory_space<hbm>> -> memref<1x50x128xi32, #tpu.memory_space<hbm>>
      %dma_start3A_163 = tpu.memref_squeeze %dma_start3A_162 : memref<1x50x128xi32, #tpu.memory_space<hbm>> -> memref<50x128xi32, #tpu.memory_space<hbm>>
      tpu.enqueue_dma source(%dma_start3A_163 : memref<50x128xi32, #tpu.memory_space<hbm>>) target(%arg5 : memref<50x128xi32, #tpu.memory_space<vmem>>) target_semaphore(%run_scoped3A : memref<!tpu.dma_semaphore, #tpu.memory_space<semaphore_mem>>)
      %dma_wait3A_164 = arith.constant 0 : i32
      %dma_wait3A_165 = arith.constant 0 : i32
      %dma_wait3A_166 = tpu.memref_slice %arg3[%add3A, %dma_wait3A_164, %dma_wait3A_165] : memref<32x50x128xi32, #tpu.memory_space<hbm>> -> memref<1x50x128xi32, #tpu.memory_space<hbm>>
      %dma_wait3A_167 = tpu.memref_squeeze %dma_wait3A_166 : memref<1x50x128xi32, #tpu.memory_space<hbm>> -> memref<50x128xi32, #tpu.memory_space<hbm>>
      %dma_wait3A_168 = arith.constant 0 : i32
      %dma_wait3A_169 = arith.constant 0 : i32
      %dma_wait3A_170 = tpu.memref_slice %arg3[%add3A, %dma_wait3A_168, %dma_wait3A_169] : memref<32x50x128xi32, #tpu.memory_space<hbm>> -> memref<1x50x128xi32, #tpu.memory_space<hbm>>
      %dma_wait3A_171 = tpu.memref_squeeze %dma_wait3A_170 : memref<1x50x128xi32, #tpu.memory_space<hbm>> -> memref<50x128xi32, #tpu.memory_space<hbm>>
      tpu.wait_dma2 semaphore(%run_scoped3A : memref<!tpu.dma_semaphore, #tpu.memory_space<semaphore_mem>>) src(%dma_wait3A_171 : memref<50x128xi32, #tpu.memory_space<hbm>>) dst(%arg5 : memref<50x128xi32, #tpu.memory_space<vmem>>)
      tpu.yield
    }) : () -> ()
    %dma_start3A = arith.constant 0 : i32
    %dma_start3A_3 = arith.constant 0 : i32
    %dma_start3A_4 = tpu.memref_slice %arg5[%dma_start3A, %dma_start3A_3] : memref<50x128xi32, #tpu.memory_space<vmem>> -> memref<1x128xi32, #tpu.memory_space<vmem>>
    %dma_start3A_5 = tpu.memref_squeeze %dma_start3A_4 : memref<1x128xi32, #tpu.memory_space<vmem>> -> memref<128xi32, #tpu.memory_space<vmem>>
    %dma_start3A_6 = arith.constant 0 : i32
    %dma_start3A_7 = arith.constant 0 : i32
    %dma_start3A_8 = tpu.memref_slice %arg2[%dma_start3A_6, %dma_start3A_7] : memref<100000x128xf32, #tpu.memory_space<hbm>> -> memref<100000x128xf32, #tpu.memory_space<hbm>>
    tpu.enqueue_indirect_dma source(%dma_start3A_8 : memref<100000x128xf32, #tpu.memory_space<hbm>>) target(%arg6 : memref<128x128xf32, #tpu.memory_space<vmem>>) offsets(%dma_start3A_5 : memref<128xi32, #tpu.memory_space<vmem>>) semaphore(%arg11 : memref<!tpu.dma_semaphore, #tpu.memory_space<semaphore_mem>>)
    %dma_start3A_9 = arith.constant 1 : i32
    %dma_start3A_10 = arith.constant 0 : i32
    %dma_start3A_11 = tpu.memref_slice %arg5[%dma_start3A_9, %dma_start3A_10] : memref<50x128xi32, #tpu.memory_space<vmem>> -> memref<1x128xi32, #tpu.memory_space<vmem>>
    %dma_start3A_12 = tpu.memref_squeeze %dma_start3A_11 : memref<1x128xi32, #tpu.memory_space<vmem>> -> memref<128xi32, #tpu.memory_space<vmem>>
    %dma_start3A_13 = arith.constant 0 : i32
    %dma_start3A_14 = arith.constant 0 : i32
    %dma_start3A_15 = tpu.memref_slice %arg2[%dma_start3A_13, %dma_start3A_14] : memref<100000x128xf32, #tpu.memory_space<hbm>> -> memref<100000x128xf32, #tpu.memory_space<hbm>>
    tpu.enqueue_indirect_dma source(%dma_start3A_15 : memref<100000x128xf32, #tpu.memory_space<hbm>>) target(%arg7 : memref<128x128xf32, #tpu.memory_space<vmem>>) offsets(%dma_start3A_12 : memref<128xi32, #tpu.memory_space<vmem>>) semaphore(%arg12 : memref<!tpu.dma_semaphore, #tpu.memory_space<semaphore_mem>>)
    %dma_start3A_16 = arith.constant 2 : i32
    %dma_start3A_17 = arith.constant 0 : i32
    %dma_start3A_18 = tpu.memref_slice %arg5[%dma_start3A_16, %dma_start3A_17] : memref<50x128xi32, #tpu.memory_space<vmem>> -> memref<1x128xi32, #tpu.memory_space<vmem>>
    %dma_start3A_19 = tpu.memref_squeeze %dma_start3A_18 : memref<1x128xi32, #tpu.memory_space<vmem>> -> memref<128xi32, #tpu.memory_space<vmem>>
    %dma_start3A_20 = arith.constant 0 : i32
    %dma_start3A_21 = arith.constant 0 : i32
    %dma_start3A_22 = tpu.memref_slice %arg2[%dma_start3A_20, %dma_start3A_21] : memref<100000x128xf32, #tpu.memory_space<hbm>> -> memref<100000x128xf32, #tpu.memory_space<hbm>>
    tpu.enqueue_indirect_dma source(%dma_start3A_22 : memref<100000x128xf32, #tpu.memory_space<hbm>>) target(%arg8 : memref<128x128xf32, #tpu.memory_space<vmem>>) offsets(%dma_start3A_19 : memref<128xi32, #tpu.memory_space<vmem>>) semaphore(%arg13 : memref<!tpu.dma_semaphore, #tpu.memory_space<semaphore_mem>>)
    %dma_start3A_23 = arith.constant 3 : i32
    %dma_start3A_24 = arith.constant 0 : i32
    %dma_start3A_25 = tpu.memref_slice %arg5[%dma_start3A_23, %dma_start3A_24] : memref<50x128xi32, #tpu.memory_space<vmem>> -> memref<1x128xi32, #tpu.memory_space<vmem>>
    %dma_start3A_26 = tpu.memref_squeeze %dma_start3A_25 : memref<1x128xi32, #tpu.memory_space<vmem>> -> memref<128xi32, #tpu.memory_space<vmem>>
    %dma_start3A_27 = arith.constant 0 : i32
    %dma_start3A_28 = arith.constant 0 : i32
    %dma_start3A_29 = tpu.memref_slice %arg2[%dma_start3A_27, %dma_start3A_28] : memref<100000x128xf32, #tpu.memory_space<hbm>> -> memref<100000x128xf32, #tpu.memory_space<hbm>>
    tpu.enqueue_indirect_dma source(%dma_start3A_29 : memref<100000x128xf32, #tpu.memory_space<hbm>>) target(%arg9 : memref<128x128xf32, #tpu.memory_space<vmem>>) offsets(%dma_start3A_26 : memref<128xi32, #tpu.memory_space<vmem>>) semaphore(%arg14 : memref<!tpu.dma_semaphore, #tpu.memory_space<semaphore_mem>>)
    %dma_wait3A = arith.constant 0 : i32
    %dma_wait3A_30 = arith.constant 0 : i32
    %dma_wait3A_31 = tpu.memref_slice %arg5[%dma_wait3A, %dma_wait3A_30] : memref<50x128xi32, #tpu.memory_space<vmem>> -> memref<1x128xi32, #tpu.memory_space<vmem>>
    %dma_wait3A_32 = tpu.memref_squeeze %dma_wait3A_31 : memref<1x128xi32, #tpu.memory_space<vmem>> -> memref<128xi32, #tpu.memory_space<vmem>>
    %dma_wait3A_33 = arith.constant 0 : i32
    %dma_wait3A_34 = arith.constant 0 : i32
    %dma_wait3A_35 = tpu.memref_slice %arg2[%dma_wait3A_33, %dma_wait3A_34] : memref<100000x128xf32, #tpu.memory_space<hbm>> -> memref<100000x128xf32, #tpu.memory_space<hbm>>
    tpu.wait_indirect_dma semaphore(%arg11 : memref<!tpu.dma_semaphore, #tpu.memory_space<semaphore_mem>>) src(%dma_wait3A_35 : memref<100000x128xf32, #tpu.memory_space<hbm>>) dst(%arg6 : memref<128x128xf32, #tpu.memory_space<vmem>>)
    %add3A_36 = arith.constant 0 : i32
    %add3A_37 = arith.addi %mul3A_2, %add3A_36 : i32
    %mul3A_38 = arith.constant 128 : i32
    %mul3A_39 = arith.muli %add3A_37, %mul3A_38 : i32
    %dma_start3A_40 = arith.constant 0 : i32
    %dma_start3A_41 = tpu.memref_slice %arg4[%mul3A_39, %dma_start3A_40] : memref<204800x128xf32, #tpu.memory_space<hbm>> -> memref<128x128xf32, #tpu.memory_space<hbm>>
    %dma_start3A_42 = arith.constant 0 : i32
    %dma_start3A_43 = tpu.memref_slice %arg4[%mul3A_39, %dma_start3A_42] : memref<204800x128xf32, #tpu.memory_space<hbm>> -> memref<128x128xf32, #tpu.memory_space<hbm>>
    tpu.enqueue_dma source(%arg6 : memref<128x128xf32, #tpu.memory_space<vmem>>) target(%dma_start3A_43 : memref<128x128xf32, #tpu.memory_space<hbm>>) target_semaphore(%arg16 : memref<!tpu.dma_semaphore, #tpu.memory_space<semaphore_mem>>)
    %dma_start3A_44 = arith.constant 4 : i32
    %dma_start3A_45 = arith.constant 0 : i32
    %dma_start3A_46 = tpu.memref_slice %arg5[%dma_start3A_44, %dma_start3A_45] : memref<50x128xi32, #tpu.memory_space<vmem>> -> memref<1x128xi32, #tpu.memory_space<vmem>>
    %dma_start3A_47 = tpu.memref_squeeze %dma_start3A_46 : memref<1x128xi32, #tpu.memory_space<vmem>> -> memref<128xi32, #tpu.memory_space<vmem>>
    %dma_start3A_48 = arith.constant 0 : i32
    %dma_start3A_49 = arith.constant 0 : i32
    %dma_start3A_50 = tpu.memref_slice %arg2[%dma_start3A_48, %dma_start3A_49] : memref<100000x128xf32, #tpu.memory_space<hbm>> -> memref<100000x128xf32, #tpu.memory_space<hbm>>
    tpu.enqueue_indirect_dma source(%dma_start3A_50 : memref<100000x128xf32, #tpu.memory_space<hbm>>) target(%arg10 : memref<128x128xf32, #tpu.memory_space<vmem>>) offsets(%dma_start3A_47 : memref<128xi32, #tpu.memory_space<vmem>>) semaphore(%arg15 : memref<!tpu.dma_semaphore, #tpu.memory_space<semaphore_mem>>)
    %dma_wait3A_51 = arith.constant 1 : i32
    %dma_wait3A_52 = arith.constant 0 : i32
    %dma_wait3A_53 = tpu.memref_slice %arg5[%dma_wait3A_51, %dma_wait3A_52] : memref<50x128xi32, #tpu.memory_space<vmem>> -> memref<1x128xi32, #tpu.memory_space<vmem>>
    %dma_wait3A_54 = tpu.memref_squeeze %dma_wait3A_53 : memref<1x128xi32, #tpu.memory_space<vmem>> -> memref<128xi32, #tpu.memory_space<vmem>>
    %dma_wait3A_55 = arith.constant 0 : i32
    %dma_wait3A_56 = arith.constant 0 : i32
    %dma_wait3A_57 = tpu.memref_slice %arg2[%dma_wait3A_55, %dma_wait3A_56] : memref<100000x128xf32, #tpu.memory_space<hbm>> -> memref<100000x128xf32, #tpu.memory_space<hbm>>
    tpu.wait_indirect_dma semaphore(%arg12 : memref<!tpu.dma_semaphore, #tpu.memory_space<semaphore_mem>>) src(%dma_wait3A_57 : memref<100000x128xf32, #tpu.memory_space<hbm>>) dst(%arg7 : memref<128x128xf32, #tpu.memory_space<vmem>>)
    %add3A_58 = arith.constant 1 : i32
    %add3A_59 = arith.addi %mul3A_2, %add3A_58 : i32
    %mul3A_60 = arith.constant 128 : i32
    %mul3A_61 = arith.muli %add3A_59, %mul3A_60 : i32
    %dma_start3A_62 = arith.constant 0 : i32
    %dma_start3A_63 = tpu.memref_slice %arg4[%mul3A_61, %dma_start3A_62] : memref<204800x128xf32, #tpu.memory_space<hbm>> -> memref<128x128xf32, #tpu.memory_space<hbm>>
    %dma_start3A_64 = arith.constant 0 : i32
    %dma_start3A_65 = tpu.memref_slice %arg4[%mul3A_61, %dma_start3A_64] : memref<204800x128xf32, #tpu.memory_space<hbm>> -> memref<128x128xf32, #tpu.memory_space<hbm>>
    tpu.enqueue_dma source(%arg7 : memref<128x128xf32, #tpu.memory_space<vmem>>) target(%dma_start3A_65 : memref<128x128xf32, #tpu.memory_space<hbm>>) target_semaphore(%arg17 : memref<!tpu.dma_semaphore, #tpu.memory_space<semaphore_mem>>)
    %scan3A = arith.constant 0 : i32
    %scan3A_66 = arith.constant 0 : i32
    %scan3A_67 = arith.constant 9 : i32
    %scan3A_68 = arith.addi %scan3A_66, %scan3A_67 : i32
    %scan3A_69 = arith.constant 1 : i32
    scf.for %scan3A_156 = %scan3A_66 to %scan3A_68 step %scan3A_69  : i32 {
      %mul3A_157 = arith.constant 5 : i32
      %mul3A_158 = arith.muli %scan3A_156, %mul3A_157 : i32
      %add3A_159 = arith.constant 2 : i32
      %add3A_160 = arith.addi %add3A_159, %mul3A_158 : i32
      %add3A_161 = arith.constant 0 : i32
      %add3A_162 = arith.addi %add3A_160, %add3A_161 : i32
      %sub3A = arith.constant 2 : i32
      %sub3A_163 = arith.subi %add3A_162, %sub3A : i32
      %add3A_164 = arith.addi %mul3A_2, %sub3A_163 : i32
      %mul3A_165 = arith.constant 128 : i32
      %mul3A_166 = arith.muli %add3A_164, %mul3A_165 : i32
      %dma_wait3A_167 = arith.constant 0 : i32
      %dma_wait3A_168 = tpu.memref_slice %arg4[%mul3A_166, %dma_wait3A_167] : memref<204800x128xf32, #tpu.memory_space<hbm>> -> memref<128x128xf32, #tpu.memory_space<hbm>>
      %dma_wait3A_169 = arith.constant 0 : i32
      %dma_wait3A_170 = tpu.memref_slice %arg4[%mul3A_166, %dma_wait3A_169] : memref<204800x128xf32, #tpu.memory_space<hbm>> -> memref<128x128xf32, #tpu.memory_space<hbm>>
      tpu.wait_dma2 semaphore(%arg16 : memref<!tpu.dma_semaphore, #tpu.memory_space<semaphore_mem>>) src(%arg6 : memref<128x128xf32, #tpu.memory_space<vmem>>) dst(%dma_wait3A_170 : memref<128x128xf32, #tpu.memory_space<hbm>>)
      %add3A_171 = arith.constant 3 : i32
      %add3A_172 = arith.addi %add3A_162, %add3A_171 : i32
      %dma_start3A_173 = arith.constant 0 : i32
      %dma_start3A_174 = tpu.memref_slice %arg5[%add3A_172, %dma_start3A_173] : memref<50x128xi32, #tpu.memory_space<vmem>> -> memref<1x128xi32, #tpu.memory_space<vmem>>
      %dma_start3A_175 = tpu.memref_squeeze %dma_start3A_174 : memref<1x128xi32, #tpu.memory_space<vmem>> -> memref<128xi32, #tpu.memory_space<vmem>>
      %dma_start3A_176 = arith.constant 0 : i32
      %dma_start3A_177 = arith.constant 0 : i32
      %dma_start3A_178 = tpu.memref_slice %arg2[%dma_start3A_176, %dma_start3A_177] : memref<100000x128xf32, #tpu.memory_space<hbm>> -> memref<100000x128xf32, #tpu.memory_space<hbm>>
      tpu.enqueue_indirect_dma source(%dma_start3A_178 : memref<100000x128xf32, #tpu.memory_space<hbm>>) target(%arg6 : memref<128x128xf32, #tpu.memory_space<vmem>>) offsets(%dma_start3A_175 : memref<128xi32, #tpu.memory_space<vmem>>) semaphore(%arg11 : memref<!tpu.dma_semaphore, #tpu.memory_space<semaphore_mem>>)
      %dma_wait3A_179 = arith.constant 0 : i32
      %dma_wait3A_180 = tpu.memref_slice %arg5[%add3A_162, %dma_wait3A_179] : memref<50x128xi32, #tpu.memory_space<vmem>> -> memref<1x128xi32, #tpu.memory_space<vmem>>
      %dma_wait3A_181 = tpu.memref_squeeze %dma_wait3A_180 : memref<1x128xi32, #tpu.memory_space<vmem>> -> memref<128xi32, #tpu.memory_space<vmem>>
      %dma_wait3A_182 = arith.constant 0 : i32
      %dma_wait3A_183 = arith.constant 0 : i32
      %dma_wait3A_184 = tpu.memref_slice %arg2[%dma_wait3A_182, %dma_wait3A_183] : memref<100000x128xf32, #tpu.memory_space<hbm>> -> memref<100000x128xf32, #tpu.memory_space<hbm>>
      tpu.wait_indirect_dma semaphore(%arg13 : memref<!tpu.dma_semaphore, #tpu.memory_space<semaphore_mem>>) src(%dma_wait3A_184 : memref<100000x128xf32, #tpu.memory_space<hbm>>) dst(%arg8 : memref<128x128xf32, #tpu.memory_space<vmem>>)
      %add3A_185 = arith.addi %mul3A_2, %add3A_162 : i32
      %mul3A_186 = arith.constant 128 : i32
      %mul3A_187 = arith.muli %add3A_185, %mul3A_186 : i32
      %dma_start3A_188 = arith.constant 0 : i32
      %dma_start3A_189 = tpu.memref_slice %arg4[%mul3A_187, %dma_start3A_188] : memref<204800x128xf32, #tpu.memory_space<hbm>> -> memref<128x128xf32, #tpu.memory_space<hbm>>
      %dma_start3A_190 = arith.constant 0 : i32
      %dma_start3A_191 = tpu.memref_slice %arg4[%mul3A_187, %dma_start3A_190] : memref<204800x128xf32, #tpu.memory_space<hbm>> -> memref<128x128xf32, #tpu.memory_space<hbm>>
      tpu.enqueue_dma source(%arg8 : memref<128x128xf32, #tpu.memory_space<vmem>>) target(%dma_start3A_191 : memref<128x128xf32, #tpu.memory_space<hbm>>) target_semaphore(%arg18 : memref<!tpu.dma_semaphore, #tpu.memory_space<semaphore_mem>>)
      %add3A_192 = arith.constant 1 : i32
      %add3A_193 = arith.addi %add3A_160, %add3A_192 : i32
      %sub3A_194 = arith.constant 2 : i32
      %sub3A_195 = arith.subi %add3A_193, %sub3A_194 : i32
      %add3A_196 = arith.addi %mul3A_2, %sub3A_195 : i32
      %mul3A_197 = arith.constant 128 : i32
      %mul3A_198 = arith.muli %add3A_196, %mul3A_197 : i32
      %dma_wait3A_199 = arith.constant 0 : i32
      %dma_wait3A_200 = tpu.memref_slice %arg4[%mul3A_198, %dma_wait3A_199] : memref<204800x128xf32, #tpu.memory_space<hbm>> -> memref<128x128xf32, #tpu.memory_space<hbm>>
      %dma_wait3A_201 = arith.constant 0 : i32
      %dma_wait3A_202 = tpu.memref_slice %arg4[%mul3A_198, %dma_wait3A_201] : memref<204800x128xf32, #tpu.memory_space<hbm>> -> memref<128x128xf32, #tpu.memory_space<hbm>>
      tpu.wait_dma2 semaphore(%arg17 : memref<!tpu.dma_semaphore, #tpu.memory_space<semaphore_mem>>) src(%arg7 : memref<128x128xf32, #tpu.memory_space<vmem>>) dst(%dma_wait3A_202 : memref<128x128xf32, #tpu.memory_space<hbm>>)
      %add3A_203 = arith.constant 3 : i32
      %add3A_204 = arith.addi %add3A_193, %add3A_203 : i32
      %dma_start3A_205 = arith.constant 0 : i32
      %dma_start3A_206 = tpu.memref_slice %arg5[%add3A_204, %dma_start3A_205] : memref<50x128xi32, #tpu.memory_space<vmem>> -> memref<1x128xi32, #tpu.memory_space<vmem>>
      %dma_start3A_207 = tpu.memref_squeeze %dma_start3A_206 : memref<1x128xi32, #tpu.memory_space<vmem>> -> memref<128xi32, #tpu.memory_space<vmem>>
      %dma_start3A_208 = arith.constant 0 : i32
      %dma_start3A_209 = arith.constant 0 : i32
      %dma_start3A_210 = tpu.memref_slice %arg2[%dma_start3A_208, %dma_start3A_209] : memref<100000x128xf32, #tpu.memory_space<hbm>> -> memref<100000x128xf32, #tpu.memory_space<hbm>>
      tpu.enqueue_indirect_dma source(%dma_start3A_210 : memref<100000x128xf32, #tpu.memory_space<hbm>>) target(%arg7 : memref<128x128xf32, #tpu.memory_space<vmem>>) offsets(%dma_start3A_207 : memref<128xi32, #tpu.memory_space<vmem>>) semaphore(%arg12 : memref<!tpu.dma_semaphore, #tpu.memory_space<semaphore_mem>>)
      %dma_wait3A_211 = arith.constant 0 : i32
      %dma_wait3A_212 = tpu.memref_slice %arg5[%add3A_193, %dma_wait3A_211] : memref<50x128xi32, #tpu.memory_space<vmem>> -> memref<1x128xi32, #tpu.memory_space<vmem>>
      %dma_wait3A_213 = tpu.memref_squeeze %dma_wait3A_212 : memref<1x128xi32, #tpu.memory_space<vmem>> -> memref<128xi32, #tpu.memory_space<vmem>>
      %dma_wait3A_214 = arith.constant 0 : i32
      %dma_wait3A_215 = arith.constant 0 : i32
      %dma_wait3A_216 = tpu.memref_slice %arg2[%dma_wait3A_214, %dma_wait3A_215] : memref<100000x128xf32, #tpu.memory_space<hbm>> -> memref<100000x128xf32, #tpu.memory_space<hbm>>
      tpu.wait_indirect_dma semaphore(%arg14 : memref<!tpu.dma_semaphore, #tpu.memory_space<semaphore_mem>>) src(%dma_wait3A_216 : memref<100000x128xf32, #tpu.memory_space<hbm>>) dst(%arg9 : memref<128x128xf32, #tpu.memory_space<vmem>>)
      %add3A_217 = arith.addi %mul3A_2, %add3A_193 : i32
      %mul3A_218 = arith.constant 128 : i32
      %mul3A_219 = arith.muli %add3A_217, %mul3A_218 : i32
      %dma_start3A_220 = arith.constant 0 : i32
      %dma_start3A_221 = tpu.memref_slice %arg4[%mul3A_219, %dma_start3A_220] : memref<204800x128xf32, #tpu.memory_space<hbm>> -> memref<128x128xf32, #tpu.memory_space<hbm>>
      %dma_start3A_222 = arith.constant 0 : i32
      %dma_start3A_223 = tpu.memref_slice %arg4[%mul3A_219, %dma_start3A_222] : memref<204800x128xf32, #tpu.memory_space<hbm>> -> memref<128x128xf32, #tpu.memory_space<hbm>>
      tpu.enqueue_dma source(%arg9 : memref<128x128xf32, #tpu.memory_space<vmem>>) target(%dma_start3A_223 : memref<128x128xf32, #tpu.memory_space<hbm>>) target_semaphore(%arg19 : memref<!tpu.dma_semaphore, #tpu.memory_space<semaphore_mem>>)
      %add3A_224 = arith.constant 2 : i32
      %add3A_225 = arith.addi %add3A_160, %add3A_224 : i32
      %sub3A_226 = arith.constant 2 : i32
      %sub3A_227 = arith.subi %add3A_225, %sub3A_226 : i32
      %add3A_228 = arith.addi %mul3A_2, %sub3A_227 : i32
      %mul3A_229 = arith.constant 128 : i32
      %mul3A_230 = arith.muli %add3A_228, %mul3A_229 : i32
      %dma_wait3A_231 = arith.constant 0 : i32
      %dma_wait3A_232 = tpu.memref_slice %arg4[%mul3A_230, %dma_wait3A_231] : memref<204800x128xf32, #tpu.memory_space<hbm>> -> memref<128x128xf32, #tpu.memory_space<hbm>>
      %dma_wait3A_233 = arith.constant 0 : i32
      %dma_wait3A_234 = tpu.memref_slice %arg4[%mul3A_230, %dma_wait3A_233] : memref<204800x128xf32, #tpu.memory_space<hbm>> -> memref<128x128xf32, #tpu.memory_space<hbm>>
      tpu.wait_dma2 semaphore(%arg18 : memref<!tpu.dma_semaphore, #tpu.memory_space<semaphore_mem>>) src(%arg8 : memref<128x128xf32, #tpu.memory_space<vmem>>) dst(%dma_wait3A_234 : memref<128x128xf32, #tpu.memory_space<hbm>>)
      %add3A_235 = arith.constant 3 : i32
      %add3A_236 = arith.addi %add3A_225, %add3A_235 : i32
      %dma_start3A_237 = arith.constant 0 : i32
      %dma_start3A_238 = tpu.memref_slice %arg5[%add3A_236, %dma_start3A_237] : memref<50x128xi32, #tpu.memory_space<vmem>> -> memref<1x128xi32, #tpu.memory_space<vmem>>
      %dma_start3A_239 = tpu.memref_squeeze %dma_start3A_238 : memref<1x128xi32, #tpu.memory_space<vmem>> -> memref<128xi32, #tpu.memory_space<vmem>>
      %dma_start3A_240 = arith.constant 0 : i32
      %dma_start3A_241 = arith.constant 0 : i32
      %dma_start3A_242 = tpu.memref_slice %arg2[%dma_start3A_240, %dma_start3A_241] : memref<100000x128xf32, #tpu.memory_space<hbm>> -> memref<100000x128xf32, #tpu.memory_space<hbm>>
      tpu.enqueue_indirect_dma source(%dma_start3A_242 : memref<100000x128xf32, #tpu.memory_space<hbm>>) target(%arg8 : memref<128x128xf32, #tpu.memory_space<vmem>>) offsets(%dma_start3A_239 : memref<128xi32, #tpu.memory_space<vmem>>) semaphore(%arg13 : memref<!tpu.dma_semaphore, #tpu.memory_space<semaphore_mem>>)
      %dma_wait3A_243 = arith.constant 0 : i32
      %dma_wait3A_244 = tpu.memref_slice %arg5[%add3A_225, %dma_wait3A_243] : memref<50x128xi32, #tpu.memory_space<vmem>> -> memref<1x128xi32, #tpu.memory_space<vmem>>
      %dma_wait3A_245 = tpu.memref_squeeze %dma_wait3A_244 : memref<1x128xi32, #tpu.memory_space<vmem>> -> memref<128xi32, #tpu.memory_space<vmem>>
      %dma_wait3A_246 = arith.constant 0 : i32
      %dma_wait3A_247 = arith.constant 0 : i32
      %dma_wait3A_248 = tpu.memref_slice %arg2[%dma_wait3A_246, %dma_wait3A_247] : memref<100000x128xf32, #tpu.memory_space<hbm>> -> memref<100000x128xf32, #tpu.memory_space<hbm>>
      tpu.wait_indirect_dma semaphore(%arg15 : memref<!tpu.dma_semaphore, #tpu.memory_space<semaphore_mem>>) src(%dma_wait3A_248 : memref<100000x128xf32, #tpu.memory_space<hbm>>) dst(%arg10 : memref<128x128xf32, #tpu.memory_space<vmem>>)
      %add3A_249 = arith.addi %mul3A_2, %add3A_225 : i32
      %mul3A_250 = arith.constant 128 : i32
      %mul3A_251 = arith.muli %add3A_249, %mul3A_250 : i32
      %dma_start3A_252 = arith.constant 0 : i32
      %dma_start3A_253 = tpu.memref_slice %arg4[%mul3A_251, %dma_start3A_252] : memref<204800x128xf32, #tpu.memory_space<hbm>> -> memref<128x128xf32, #tpu.memory_space<hbm>>
      %dma_start3A_254 = arith.constant 0 : i32
      %dma_start3A_255 = tpu.memref_slice %arg4[%mul3A_251, %dma_start3A_254] : memref<204800x128xf32, #tpu.memory_space<hbm>> -> memref<128x128xf32, #tpu.memory_space<hbm>>
      tpu.enqueue_dma source(%arg10 : memref<128x128xf32, #tpu.memory_space<vmem>>) target(%dma_start3A_255 : memref<128x128xf32, #tpu.memory_space<hbm>>) target_semaphore(%arg20 : memref<!tpu.dma_semaphore, #tpu.memory_space<semaphore_mem>>)
      %add3A_256 = arith.constant 3 : i32
      %add3A_257 = arith.addi %add3A_160, %add3A_256 : i32
      %sub3A_258 = arith.constant 2 : i32
      %sub3A_259 = arith.subi %add3A_257, %sub3A_258 : i32
      %add3A_260 = arith.addi %mul3A_2, %sub3A_259 : i32
      %mul3A_261 = arith.constant 128 : i32
      %mul3A_262 = arith.muli %add3A_260, %mul3A_261 : i32
      %dma_wait3A_263 = arith.constant 0 : i32
      %dma_wait3A_264 = tpu.memref_slice %arg4[%mul3A_262, %dma_wait3A_263] : memref<204800x128xf32, #tpu.memory_space<hbm>> -> memref<128x128xf32, #tpu.memory_space<hbm>>
      %dma_wait3A_265 = arith.constant 0 : i32
      %dma_wait3A_266 = tpu.memref_slice %arg4[%mul3A_262, %dma_wait3A_265] : memref<204800x128xf32, #tpu.memory_space<hbm>> -> memref<128x128xf32, #tpu.memory_space<hbm>>
      tpu.wait_dma2 semaphore(%arg19 : memref<!tpu.dma_semaphore, #tpu.memory_space<semaphore_mem>>) src(%arg9 : memref<128x128xf32, #tpu.memory_space<vmem>>) dst(%dma_wait3A_266 : memref<128x128xf32, #tpu.memory_space<hbm>>)
      %add3A_267 = arith.constant 3 : i32
      %add3A_268 = arith.addi %add3A_257, %add3A_267 : i32
      %dma_start3A_269 = arith.constant 0 : i32
      %dma_start3A_270 = tpu.memref_slice %arg5[%add3A_268, %dma_start3A_269] : memref<50x128xi32, #tpu.memory_space<vmem>> -> memref<1x128xi32, #tpu.memory_space<vmem>>
      %dma_start3A_271 = tpu.memref_squeeze %dma_start3A_270 : memref<1x128xi32, #tpu.memory_space<vmem>> -> memref<128xi32, #tpu.memory_space<vmem>>
      %dma_start3A_272 = arith.constant 0 : i32
      %dma_start3A_273 = arith.constant 0 : i32
      %dma_start3A_274 = tpu.memref_slice %arg2[%dma_start3A_272, %dma_start3A_273] : memref<100000x128xf32, #tpu.memory_space<hbm>> -> memref<100000x128xf32, #tpu.memory_space<hbm>>
      tpu.enqueue_indirect_dma source(%dma_start3A_274 : memref<100000x128xf32, #tpu.memory_space<hbm>>) target(%arg9 : memref<128x128xf32, #tpu.memory_space<vmem>>) offsets(%dma_start3A_271 : memref<128xi32, #tpu.memory_space<vmem>>) semaphore(%arg14 : memref<!tpu.dma_semaphore, #tpu.memory_space<semaphore_mem>>)
      %dma_wait3A_275 = arith.constant 0 : i32
      %dma_wait3A_276 = tpu.memref_slice %arg5[%add3A_257, %dma_wait3A_275] : memref<50x128xi32, #tpu.memory_space<vmem>> -> memref<1x128xi32, #tpu.memory_space<vmem>>
      %dma_wait3A_277 = tpu.memref_squeeze %dma_wait3A_276 : memref<1x128xi32, #tpu.memory_space<vmem>> -> memref<128xi32, #tpu.memory_space<vmem>>
      %dma_wait3A_278 = arith.constant 0 : i32
      %dma_wait3A_279 = arith.constant 0 : i32
      %dma_wait3A_280 = tpu.memref_slice %arg2[%dma_wait3A_278, %dma_wait3A_279] : memref<100000x128xf32, #tpu.memory_space<hbm>> -> memref<100000x128xf32, #tpu.memory_space<hbm>>
      tpu.wait_indirect_dma semaphore(%arg11 : memref<!tpu.dma_semaphore, #tpu.memory_space<semaphore_mem>>) src(%dma_wait3A_280 : memref<100000x128xf32, #tpu.memory_space<hbm>>) dst(%arg6 : memref<128x128xf32, #tpu.memory_space<vmem>>)
      %add3A_281 = arith.addi %mul3A_2, %add3A_257 : i32
      %mul3A_282 = arith.constant 128 : i32
      %mul3A_283 = arith.muli %add3A_281, %mul3A_282 : i32
      %dma_start3A_284 = arith.constant 0 : i32
      %dma_start3A_285 = tpu.memref_slice %arg4[%mul3A_283, %dma_start3A_284] : memref<204800x128xf32, #tpu.memory_space<hbm>> -> memref<128x128xf32, #tpu.memory_space<hbm>>
      %dma_start3A_286 = arith.constant 0 : i32
      %dma_start3A_287 = tpu.memref_slice %arg4[%mul3A_283, %dma_start3A_286] : memref<204800x128xf32, #tpu.memory_space<hbm>> -> memref<128x128xf32, #tpu.memory_space<hbm>>
      tpu.enqueue_dma source(%arg6 : memref<128x128xf32, #tpu.memory_space<vmem>>) target(%dma_start3A_287 : memref<128x128xf32, #tpu.memory_space<hbm>>) target_semaphore(%arg16 : memref<!tpu.dma_semaphore, #tpu.memory_space<semaphore_mem>>)
      %add3A_288 = arith.constant 4 : i32
      %add3A_289 = arith.addi %add3A_160, %add3A_288 : i32
      %sub3A_290 = arith.constant 2 : i32
      %sub3A_291 = arith.subi %add3A_289, %sub3A_290 : i32
      %add3A_292 = arith.addi %mul3A_2, %sub3A_291 : i32
      %mul3A_293 = arith.constant 128 : i32
      %mul3A_294 = arith.muli %add3A_292, %mul3A_293 : i32
      %dma_wait3A_295 = arith.constant 0 : i32
      %dma_wait3A_296 = tpu.memref_slice %arg4[%mul3A_294, %dma_wait3A_295] : memref<204800x128xf32, #tpu.memory_space<hbm>> -> memref<128x128xf32, #tpu.memory_space<hbm>>
      %dma_wait3A_297 = arith.constant 0 : i32
      %dma_wait3A_298 = tpu.memref_slice %arg4[%mul3A_294, %dma_wait3A_297] : memref<204800x128xf32, #tpu.memory_space<hbm>> -> memref<128x128xf32, #tpu.memory_space<hbm>>
      tpu.wait_dma2 semaphore(%arg20 : memref<!tpu.dma_semaphore, #tpu.memory_space<semaphore_mem>>) src(%arg10 : memref<128x128xf32, #tpu.memory_space<vmem>>) dst(%dma_wait3A_298 : memref<128x128xf32, #tpu.memory_space<hbm>>)
      %add3A_299 = arith.constant 3 : i32
      %add3A_300 = arith.addi %add3A_289, %add3A_299 : i32
      %dma_start3A_301 = arith.constant 0 : i32
      %dma_start3A_302 = tpu.memref_slice %arg5[%add3A_300, %dma_start3A_301] : memref<50x128xi32, #tpu.memory_space<vmem>> -> memref<1x128xi32, #tpu.memory_space<vmem>>
      %dma_start3A_303 = tpu.memref_squeeze %dma_start3A_302 : memref<1x128xi32, #tpu.memory_space<vmem>> -> memref<128xi32, #tpu.memory_space<vmem>>
      %dma_start3A_304 = arith.constant 0 : i32
      %dma_start3A_305 = arith.constant 0 : i32
      %dma_start3A_306 = tpu.memref_slice %arg2[%dma_start3A_304, %dma_start3A_305] : memref<100000x128xf32, #tpu.memory_space<hbm>> -> memref<100000x128xf32, #tpu.memory_space<hbm>>
      tpu.enqueue_indirect_dma source(%dma_start3A_306 : memref<100000x128xf32, #tpu.memory_space<hbm>>) target(%arg10 : memref<128x128xf32, #tpu.memory_space<vmem>>) offsets(%dma_start3A_303 : memref<128xi32, #tpu.memory_space<vmem>>) semaphore(%arg15 : memref<!tpu.dma_semaphore, #tpu.memory_space<semaphore_mem>>)
      %dma_wait3A_307 = arith.constant 0 : i32
      %dma_wait3A_308 = tpu.memref_slice %arg5[%add3A_289, %dma_wait3A_307] : memref<50x128xi32, #tpu.memory_space<vmem>> -> memref<1x128xi32, #tpu.memory_space<vmem>>
      %dma_wait3A_309 = tpu.memref_squeeze %dma_wait3A_308 : memref<1x128xi32, #tpu.memory_space<vmem>> -> memref<128xi32, #tpu.memory_space<vmem>>
      %dma_wait3A_310 = arith.constant 0 : i32
      %dma_wait3A_311 = arith.constant 0 : i32
      %dma_wait3A_312 = tpu.memref_slice %arg2[%dma_wait3A_310, %dma_wait3A_311] : memref<100000x128xf32, #tpu.memory_space<hbm>> -> memref<100000x128xf32, #tpu.memory_space<hbm>>
      tpu.wait_indirect_dma semaphore(%arg12 : memref<!tpu.dma_semaphore, #tpu.memory_space<semaphore_mem>>) src(%dma_wait3A_312 : memref<100000x128xf32, #tpu.memory_space<hbm>>) dst(%arg7 : memref<128x128xf32, #tpu.memory_space<vmem>>)
      %add3A_313 = arith.addi %mul3A_2, %add3A_289 : i32
      %mul3A_314 = arith.constant 128 : i32
      %mul3A_315 = arith.muli %add3A_313, %mul3A_314 : i32
      %dma_start3A_316 = arith.constant 0 : i32
      %dma_start3A_317 = tpu.memref_slice %arg4[%mul3A_315, %dma_start3A_316] : memref<204800x128xf32, #tpu.memory_space<hbm>> -> memref<128x128xf32, #tpu.memory_space<hbm>>
      %dma_start3A_318 = arith.constant 0 : i32
      %dma_start3A_319 = tpu.memref_slice %arg4[%mul3A_315, %dma_start3A_318] : memref<204800x128xf32, #tpu.memory_space<hbm>> -> memref<128x128xf32, #tpu.memory_space<hbm>>
      tpu.enqueue_dma source(%arg7 : memref<128x128xf32, #tpu.memory_space<vmem>>) target(%dma_start3A_319 : memref<128x128xf32, #tpu.memory_space<hbm>>) target_semaphore(%arg17 : memref<!tpu.dma_semaphore, #tpu.memory_space<semaphore_mem>>)
    }
    %scan3A_70 = arith.constant 9 : i32
    %dma_wait3A_71 = arith.constant 47 : i32
    %dma_wait3A_72 = arith.constant 0 : i32
    %dma_wait3A_73 = tpu.memref_slice %arg5[%dma_wait3A_71, %dma_wait3A_72] : memref<50x128xi32, #tpu.memory_space<vmem>> -> memref<1x128xi32, #tpu.memory_space<vmem>>
    %dma_wait3A_74 = tpu.memref_squeeze %dma_wait3A_73 : memref<1x128xi32, #tpu.memory_space<vmem>> -> memref<128xi32, #tpu.memory_space<vmem>>
    %dma_wait3A_75 = arith.constant 0 : i32
    %dma_wait3A_76 = arith.constant 0 : i32
    %dma_wait3A_77 = tpu.memref_slice %arg2[%dma_wait3A_75, %dma_wait3A_76] : memref<100000x128xf32, #tpu.memory_space<hbm>> -> memref<100000x128xf32, #tpu.memory_space<hbm>>
    tpu.wait_indirect_dma semaphore(%arg13 : memref<!tpu.dma_semaphore, #tpu.memory_space<semaphore_mem>>) src(%dma_wait3A_77 : memref<100000x128xf32, #tpu.memory_space<hbm>>) dst(%arg8 : memref<128x128xf32, #tpu.memory_space<vmem>>)
    %add3A_78 = arith.constant 47 : i32
    %add3A_79 = arith.addi %mul3A_2, %add3A_78 : i32
    %mul3A_80 = arith.constant 128 : i32
    %mul3A_81 = arith.muli %add3A_79, %mul3A_80 : i32
    %dma_start3A_82 = arith.constant 0 : i32
    %dma_start3A_83 = tpu.memref_slice %arg4[%mul3A_81, %dma_start3A_82] : memref<204800x128xf32, #tpu.memory_space<hbm>> -> memref<128x128xf32, #tpu.memory_space<hbm>>
    %dma_start3A_84 = arith.constant 0 : i32
    %dma_start3A_85 = tpu.memref_slice %arg4[%mul3A_81, %dma_start3A_84] : memref<204800x128xf32, #tpu.memory_space<hbm>> -> memref<128x128xf32, #tpu.memory_space<hbm>>
    tpu.enqueue_dma source(%arg8 : memref<128x128xf32, #tpu.memory_space<vmem>>) target(%dma_start3A_85 : memref<128x128xf32, #tpu.memory_space<hbm>>) target_semaphore(%arg18 : memref<!tpu.dma_semaphore, #tpu.memory_space<semaphore_mem>>)
    %dma_wait3A_86 = arith.constant 48 : i32
    %dma_wait3A_87 = arith.constant 0 : i32
    %dma_wait3A_88 = tpu.memref_slice %arg5[%dma_wait3A_86, %dma_wait3A_87] : memref<50x128xi32, #tpu.memory_space<vmem>> -> memref<1x128xi32, #tpu.memory_space<vmem>>
    %dma_wait3A_89 = tpu.memref_squeeze %dma_wait3A_88 : memref<1x128xi32, #tpu.memory_space<vmem>> -> memref<128xi32, #tpu.memory_space<vmem>>
    %dma_wait3A_90 = arith.constant 0 : i32
    %dma_wait3A_91 = arith.constant 0 : i32
    %dma_wait3A_92 = tpu.memref_slice %arg2[%dma_wait3A_90, %dma_wait3A_91] : memref<100000x128xf32, #tpu.memory_space<hbm>> -> memref<100000x128xf32, #tpu.memory_space<hbm>>
    tpu.wait_indirect_dma semaphore(%arg14 : memref<!tpu.dma_semaphore, #tpu.memory_space<semaphore_mem>>) src(%dma_wait3A_92 : memref<100000x128xf32, #tpu.memory_space<hbm>>) dst(%arg9 : memref<128x128xf32, #tpu.memory_space<vmem>>)
    %add3A_93 = arith.constant 48 : i32
    %add3A_94 = arith.addi %mul3A_2, %add3A_93 : i32
    %mul3A_95 = arith.constant 128 : i32
    %mul3A_96 = arith.muli %add3A_94, %mul3A_95 : i32
    %dma_start3A_97 = arith.constant 0 : i32
    %dma_start3A_98 = tpu.memref_slice %arg4[%mul3A_96, %dma_start3A_97] : memref<204800x128xf32, #tpu.memory_space<hbm>> -> memref<128x128xf32, #tpu.memory_space<hbm>>
    %dma_start3A_99 = arith.constant 0 : i32
    %dma_start3A_100 = tpu.memref_slice %arg4[%mul3A_96, %dma_start3A_99] : memref<204800x128xf32, #tpu.memory_space<hbm>> -> memref<128x128xf32, #tpu.memory_space<hbm>>
    tpu.enqueue_dma source(%arg9 : memref<128x128xf32, #tpu.memory_space<vmem>>) target(%dma_start3A_100 : memref<128x128xf32, #tpu.memory_space<hbm>>) target_semaphore(%arg19 : memref<!tpu.dma_semaphore, #tpu.memory_space<semaphore_mem>>)
    %dma_wait3A_101 = arith.constant 49 : i32
    %dma_wait3A_102 = arith.constant 0 : i32
    %dma_wait3A_103 = tpu.memref_slice %arg5[%dma_wait3A_101, %dma_wait3A_102] : memref<50x128xi32, #tpu.memory_space<vmem>> -> memref<1x128xi32, #tpu.memory_space<vmem>>
    %dma_wait3A_104 = tpu.memref_squeeze %dma_wait3A_103 : memref<1x128xi32, #tpu.memory_space<vmem>> -> memref<128xi32, #tpu.memory_space<vmem>>
    %dma_wait3A_105 = arith.constant 0 : i32
    %dma_wait3A_106 = arith.constant 0 : i32
    %dma_wait3A_107 = tpu.memref_slice %arg2[%dma_wait3A_105, %dma_wait3A_106] : memref<100000x128xf32, #tpu.memory_space<hbm>> -> memref<100000x128xf32, #tpu.memory_space<hbm>>
    tpu.wait_indirect_dma semaphore(%arg15 : memref<!tpu.dma_semaphore, #tpu.memory_space<semaphore_mem>>) src(%dma_wait3A_107 : memref<100000x128xf32, #tpu.memory_space<hbm>>) dst(%arg10 : memref<128x128xf32, #tpu.memory_space<vmem>>)
    %add3A_108 = arith.constant 49 : i32
    %add3A_109 = arith.addi %mul3A_2, %add3A_108 : i32
    %mul3A_110 = arith.constant 128 : i32
    %mul3A_111 = arith.muli %add3A_109, %mul3A_110 : i32
    %dma_start3A_112 = arith.constant 0 : i32
    %dma_start3A_113 = tpu.memref_slice %arg4[%mul3A_111, %dma_start3A_112] : memref<204800x128xf32, #tpu.memory_space<hbm>> -> memref<128x128xf32, #tpu.memory_space<hbm>>
    %dma_start3A_114 = arith.constant 0 : i32
    %dma_start3A_115 = tpu.memref_slice %arg4[%mul3A_111, %dma_start3A_114] : memref<204800x128xf32, #tpu.memory_space<hbm>> -> memref<128x128xf32, #tpu.memory_space<hbm>>
    tpu.enqueue_dma source(%arg10 : memref<128x128xf32, #tpu.memory_space<vmem>>) target(%dma_start3A_115 : memref<128x128xf32, #tpu.memory_space<hbm>>) target_semaphore(%arg20 : memref<!tpu.dma_semaphore, #tpu.memory_space<semaphore_mem>>)
    %add3A_116 = arith.constant 45 : i32
    %add3A_117 = arith.addi %mul3A_2, %add3A_116 : i32
    %mul3A_118 = arith.constant 128 : i32
    %mul3A_119 = arith.muli %add3A_117, %mul3A_118 : i32
    %dma_wait3A_120 = arith.constant 0 : i32
    %dma_wait3A_121 = tpu.memref_slice %arg4[%mul3A_119, %dma_wait3A_120] : memref<204800x128xf32, #tpu.memory_space<hbm>> -> memref<128x128xf32, #tpu.memory_space<hbm>>
    %dma_wait3A_122 = arith.constant 0 : i32
    %dma_wait3A_123 = tpu.memref_slice %arg4[%mul3A_119, %dma_wait3A_122] : memref<204800x128xf32, #tpu.memory_space<hbm>> -> memref<128x128xf32, #tpu.memory_space<hbm>>
    tpu.wait_dma2 semaphore(%arg16 : memref<!tpu.dma_semaphore, #tpu.memory_space<semaphore_mem>>) src(%arg6 : memref<128x128xf32, #tpu.memory_space<vmem>>) dst(%dma_wait3A_123 : memref<128x128xf32, #tpu.memory_space<hbm>>)
    %add3A_124 = arith.constant 46 : i32
    %add3A_125 = arith.addi %mul3A_2, %add3A_124 : i32
    %mul3A_126 = arith.constant 128 : i32
    %mul3A_127 = arith.muli %add3A_125, %mul3A_126 : i32
    %dma_wait3A_128 = arith.constant 0 : i32
    %dma_wait3A_129 = tpu.memref_slice %arg4[%mul3A_127, %dma_wait3A_128] : memref<204800x128xf32, #tpu.memory_space<hbm>> -> memref<128x128xf32, #tpu.memory_space<hbm>>
    %dma_wait3A_130 = arith.constant 0 : i32
    %dma_wait3A_131 = tpu.memref_slice %arg4[%mul3A_127, %dma_wait3A_130] : memref<204800x128xf32, #tpu.memory_space<hbm>> -> memref<128x128xf32, #tpu.memory_space<hbm>>
    tpu.wait_dma2 semaphore(%arg17 : memref<!tpu.dma_semaphore, #tpu.memory_space<semaphore_mem>>) src(%arg7 : memref<128x128xf32, #tpu.memory_space<vmem>>) dst(%dma_wait3A_131 : memref<128x128xf32, #tpu.memory_space<hbm>>)
    %add3A_132 = arith.constant 47 : i32
    %add3A_133 = arith.addi %mul3A_2, %add3A_132 : i32
    %mul3A_134 = arith.constant 128 : i32
    %mul3A_135 = arith.muli %add3A_133, %mul3A_134 : i32
    %dma_wait3A_136 = arith.constant 0 : i32
    %dma_wait3A_137 = tpu.memref_slice %arg4[%mul3A_135, %dma_wait3A_136] : memref<204800x128xf32, #tpu.memory_space<hbm>> -> memref<128x128xf32, #tpu.memory_space<hbm>>
    %dma_wait3A_138 = arith.constant 0 : i32
    %dma_wait3A_139 = tpu.memref_slice %arg4[%mul3A_135, %dma_wait3A_138] : memref<204800x128xf32, #tpu.memory_space<hbm>> -> memref<128x128xf32, #tpu.memory_space<hbm>>
    tpu.wait_dma2 semaphore(%arg18 : memref<!tpu.dma_semaphore, #tpu.memory_space<semaphore_mem>>) src(%arg8 : memref<128x128xf32, #tpu.memory_space<vmem>>) dst(%dma_wait3A_139 : memref<128x128xf32, #tpu.memory_space<hbm>>)
    %add3A_140 = arith.constant 48 : i32
    %add3A_141 = arith.addi %mul3A_2, %add3A_140 : i32
    %mul3A_142 = arith.constant 128 : i32
    %mul3A_143 = arith.muli %add3A_141, %mul3A_142 : i32
    %dma_wait3A_144 = arith.constant 0 : i32
    %dma_wait3A_145 = tpu.memref_slice %arg4[%mul3A_143, %dma_wait3A_144] : memref<204800x128xf32, #tpu.memory_space<hbm>> -> memref<128x128xf32, #tpu.memory_space<hbm>>
    %dma_wait3A_146 = arith.constant 0 : i32
    %dma_wait3A_147 = tpu.memref_slice %arg4[%mul3A_143, %dma_wait3A_146] : memref<204800x128xf32, #tpu.memory_space<hbm>> -> memref<128x128xf32, #tpu.memory_space<hbm>>
    tpu.wait_dma2 semaphore(%arg19 : memref<!tpu.dma_semaphore, #tpu.memory_space<semaphore_mem>>) src(%arg9 : memref<128x128xf32, #tpu.memory_space<vmem>>) dst(%dma_wait3A_147 : memref<128x128xf32, #tpu.memory_space<hbm>>)
    %add3A_148 = arith.constant 49 : i32
    %add3A_149 = arith.addi %mul3A_2, %add3A_148 : i32
    %mul3A_150 = arith.constant 128 : i32
    %mul3A_151 = arith.muli %add3A_149, %mul3A_150 : i32
    %dma_wait3A_152 = arith.constant 0 : i32
    %dma_wait3A_153 = tpu.memref_slice %arg4[%mul3A_151, %dma_wait3A_152] : memref<204800x128xf32, #tpu.memory_space<hbm>> -> memref<128x128xf32, #tpu.memory_space<hbm>>
    %dma_wait3A_154 = arith.constant 0 : i32
    %dma_wait3A_155 = tpu.memref_slice %arg4[%mul3A_151, %dma_wait3A_154] : memref<204800x128xf32, #tpu.memory_space<hbm>> -> memref<128x128xf32, #tpu.memory_space<hbm>>
    tpu.wait_dma2 semaphore(%arg20 : memref<!tpu.dma_semaphore, #tpu.memory_space<semaphore_mem>>) src(%arg10 : memref<128x128xf32, #tpu.memory_space<vmem>>) dst(%dma_wait3A_155 : memref<128x128xf32, #tpu.memory_space<hbm>>)
    return
  }
}

</mosaic_0001>

<sc_bundles>
// kernel: kernel.3.cloned.1.call-start
scs
__scs_entry_jumppad:
0x0: {  	(pc) =	sbr.rel $0x88, $3  }
0x1: {  	(tag) =	ssettag $0x0;
	lr =	simm.s32 $0x1  }
0x2: {  	[smem:$0x3F9F] =	sst lr;
	_ =	strace $0xD0000000  }
0x3: {  	_ = 	snop  }
0x4: {  	_ = 	snop  }
0x5: {  	_ = 	snop  }
0x6: {  	_ = 	snop  }
0x7: {  	_ = 	snop  }
__scs_overlays_trampoline_lowered:
0x8: {  	[smem:$0x3FAE] =	sst s0  }
0x9: {  	[smem:$0x3FAF] =	sst s1  }
0xa: {  	[smem:$0x3FB0] =	sst s2  }
0xb: {  	[smem:$0x3FB1] =	sst s3  }
0xc: {  	[smem:$0x3FB2] =	sst s4  }
0xd: {  	[smem:$0x3FB3] =	sst s5  }
0xe: {  	[smem:$0x3FB4] =	sst s6  }
0xf: {  	[smem:$0x3FB5] =	sst s7  }
0x10: {  	[smem:$0x3FB6] =	sst s8  }
0x11: {  	[smem:$0x3FB7] =	sst s9;
	s0 =	simm.s32 @!p0 $0x0  }
0x12: {  	s1 =	sld [smem:$0x3F9D];
	s0 =	simm.s32 @p0 $0x1  }
0x13: {  	[smem:$0x3FB8] =	sst s0;
	s0 =	simm.s32 @!p1 $0x0  }
0x14: {  	s2 =	sld [smem:$0x3F9C];
	s0 =	simm.s32 @p1 $0x1  }
0x15: {  	[smem:$0x3FB9] =	sst s0;
	s0 =	simm.s32 @!p2 $0x0  }
0x16: {  	s3 =	sld [smem:$0x3FDB];
	s0 =	simm.s32 @p2 $0x1  }
0x17: {  	s4 =	simm.s32 $0x1BF5;
	[smem:$0x3FBB] =	sst s0  }
0x18: {  	s0 =	sld [smem:$0x3F9E];
	_ =	swait.ge [sflag:s4], $0x0  }
0x19: {  	s7 =	sld [smem:$0x3F9F]  }
0x1a: {  	s8 =	sadd.s32 $0xFFFFE003, lr  }
0x1b: {  	s9 =	sadd.s32 $0xFFFFFEF7, lr;
	s5 =	simm.s32 $0xFFFFFFFF;
	p2 =	slt.u32 s8, $0xFFFFF086  }
0x1c: {  	p1 =	slt.u32 s9, $0xF7A;
	s5 =	simm.s32 @!p2 $0x0  }
0x1d: {  	s5 =	simm.s32 @p1 $0x1;
	p0 =	seq.s32 s7, s2  }
0x1e: {  	s7 =	smul.u32 @!p0 $0xF7A, s2;
	p2 =	seq.s32 @!p0 s5, $0x0  }
0x1f: {  	s9 =	smul.u32 $0xF7A, s1;
	s8 =	simm.s32 @!p0 $0x1BF5;
	p2 =	por !p2, p0  }
0x20: {  	[sflag:s8] =	ssyncset.s32 @!p0 $0xFFFFF086;
	s6 =	sadd.s32 @!p0 s3, s7;
	s7 =	simm.s32 @!p0 $0x108  }
0x21: {  	s3 =	sadd.s32 s3, s9;
	s6 =	sadd.s32 @!p0 $0x88, s6;
	s7 =	simm.s32 @p2 $0x1082  }
0x22: {  	[simem:s7], [sflag:s8] =	dma.local @!p0 [hbm:s6], $0xF7A  }
0x23: {  	s9 =	sor.u32 $0xD0000000, s2;
	s6 =	simm.s32 $0x108;
	_ =	swait.ge @!p0 [sflag:s8], $0x0  }
0x24: {  	s3 =	sadd.s32 $0x88, s3;
	s6 =	simm.s32 @!p1 $0x1082;
	[sflag:s4] =	ssyncset.s32 $0xFFFFF086  }
0x25: {  	[simem:s6], [sflag:s4] =	dma.local [hbm:s3], $0xF7A  }
0x26: {  	[smem:$0x3F9F] =	sst s1;
	(tag) =	ssettag s2;
	_ =	strace s9  }
0x27: {  	s1 =	sld [smem:$0x3FAF]  }
0x28: {  	s2 =	sld [smem:$0x3FB0]  }
0x29: {  	s4 =	sld [smem:$0x3FB2]  }
0x2a: {  	p0 =	seq.s32 s5, $0x0;
	s5 =	sld [smem:$0x3FB3]  }
0x2b: {  	s6 =	sld [smem:$0x3FB4]  }
0x2c: {  	s7 =	sld [smem:$0x3FB5]  }
0x2d: {  	s3 =	simm.s32 $0x108;
	s8 =	sld [smem:$0x3FB6]  }
0x2e: {  	s3 =	simm.s32 @!p0 $0x1082;
	s9 =	sld [smem:$0x3FB7]  }
0x2f: {  	lr =	sadd.s32 s0, s3;
	s0 =	sld [smem:$0x3FAE]  }
0x30: {  	s3 =	sld [smem:$0x3FB1]  }
0x31: {  	[smem:$0x3FBA] =	sst s10  }
0x32: {  	s10 =	sld [smem:$0x3FB8];
	_ =	sdelay $0x3  }
0x33: {  	p0 =	seq.s32 s10, $0x1;
	s10 =	sld [smem:$0x3FBA];
	_ =	sdelay $0x3  }
0x34: {  	[smem:$0x3FBA] =	sst s10  }
0x35: {  	s10 =	sld [smem:$0x3FB9];
	_ =	sdelay $0x3  }
0x36: {  	p1 =	seq.s32 s10, $0x1;
	s10 =	sld [smem:$0x3FBA];
	_ =	sdelay $0x3  }
0x37: {  	[smem:$0x3FBA] =	sst s10  }
0x38: {  	s10 =	sld [smem:$0x3FBB]  }
0x39: {  	_ = 	snop;
	(pc) =	sbr.ind lr, $3  }
0x3a: {  	_ = 	snop  }
0x3b: {  	_ = 	snop  }
0x3c: {  	p2 =	seq.s32 s10, $0x1;
	s10 =	sld [smem:$0x3FBA]  }
0x3d: {  	_ =	shalt  }
0x3e: {  	_ =	shalt  }
0x3f: {  	_ =	shalt  }
0x40: {  	_ =	shalt  }
0x41: {  	_ =	shalt  }
0x42: {  	_ =	shalt  }
0x43: {  	_ =	shalt  }
0x44: {  	_ =	shalt  }
0x45: {  	_ =	shalt  }
0x46: {  	_ =	shalt  }
0x47: {  	_ =	shalt  }
0x48: {  	_ =	shalt  }
0x49: {  	_ =	shalt  }
0x4a: {  	_ =	shalt  }
0x4b: {  	_ =	shalt  }
0x4c: {  	_ =	shalt  }
0x4d: {  	_ =	shalt  }
0x4e: {  	_ =	shalt  }
0x4f: {  	_ =	shalt  }
0x50: {  	_ =	shalt  }
0x51: {  	_ =	shalt  }
0x52: {  	_ =	shalt  }
0x53: {  	_ =	shalt  }
0x54: {  	_ =	shalt  }
0x55: {  	_ =	shalt  }
0x56: {  	_ =	shalt  }
0x57: {  	_ =	shalt  }
0x58: {  	_ =	shalt  }
0x59: {  	_ =	shalt  }
0x5a: {  	_ =	shalt  }
0x5b: {  	_ =	shalt  }
0x5c: {  	_ =	shalt  }
0x5d: {  	_ =	shalt  }
0x5e: {  	_ =	shalt  }
0x5f: {  	_ =	shalt  }
0x60: {  	_ =	shalt  }
0x61: {  	_ =	shalt  }
0x62: {  	_ =	shalt  }
0x63: {  	_ =	shalt  }
0x64: {  	_ =	shalt  }
0x65: {  	_ =	shalt  }
0x66: {  	_ =	shalt  }
0x67: {  	_ =	shalt  }
0x68: {  	_ =	shalt  }
0x69: {  	_ =	shalt  }
0x6a: {  	_ =	shalt  }
0x6b: {  	_ =	shalt  }
0x6c: {  	_ =	shalt  }
0x6d: {  	_ =	shalt  }
0x6e: {  	_ =	shalt  }
0x6f: {  	_ =	shalt  }
0x70: {  	_ =	shalt  }
0x71: {  	_ =	shalt  }
0x72: {  	_ =	shalt  }
0x73: {  	_ =	shalt  }
0x74: {  	_ =	shalt  }
0x75: {  	_ =	shalt  }
0x76: {  	_ =	shalt  }
0x77: {  	_ =	shalt  }
0x78: {  	_ =	shalt  }
0x79: {  	_ =	shalt  }
0x7a: {  	_ =	shalt  }
0x7b: {  	_ =	shalt  }
0x7c: {  	_ =	shalt  }
0x7d: {  	_ =	shalt  }
0x7e: {  	_ =	shalt  }
0x7f: {  	_ =	shalt  }
0x80: {  	_ =	shalt  }
0x81: {  	_ =	shalt  }
0x82: {  	_ =	shalt  }
0x83: {  	_ =	shalt  }
0x84: {  	_ =	shalt  }
0x85: {  	_ =	shalt  }
0x86: {  	_ =	shalt  }
0x87: {  	_ =	shalt  }
.Lfunc_end0:
.L_simem_size_0:
called_computation_lowered:
.L_overlay_start_0:
0x88: {  	s2 =	sld [smem:$0x3FD9]  }
0x89: {  	s3 =	sld [smem:$0x3FFE];
	_ =	sdelay $0x1  }
0x8a: {  	s1 =	srdreg.scid  }
0x8b: {  	s0 =	sand.u32 $0x1, s1  }
0x8c: {  	s17 =	sshll.u32 s0, $0xA;
	s2 =	sadd.s32 s3, s2  }
0x8d: {  	s2 =	sadd.s32 s2, s17  }
0x8e: {  	[smem:$0x3FC6] =	sst s2  }
0x8f: {  	_ = 	snop  }
0x90: {  	s2 =	sld [smem:$0x3FC8]  }
0x91: {  	s18 =	sld [smem:$0x3FD0];
	(tm) =	ssettm $0x1  }
0x92: {  	s4 =	sld [smem:$0x3FFB];
	_ =	sdelay $0x3  }
0x93: {  	_ =	strace s4  }
0x94: {  	s4 =	sld [smem:$0x3FFC];
	_ =	sdelay $0x3  }
0x95: {  	_ =	strace s4  }
0x96: {  	s4 =	sld [smem:$0x3FFD];
	_ =	sdelay $0x3  }
0x97: {  	_ =	strace s4  }
0x98: {  	_ =	strace $0x8FFFFFFF  }
0x99: {  	s19 =	sld [smem:$0x3FDB];
	_ =	sdelay $0x1  }
0x9a: {  	s5 =	simm.s32 $_scs_section_size  }
0x9b: {  	s6 =	simm.s32 $_size__tile_overlayer_lowered;
	s7 =	simm.s32 $_tile_overlayer_lowered  }
0x9c: {  	s22 =	simm.s32 $0x1BFF;
	s21 =	sshll.u32 s7, $0x1;
	s4 =	sadd.s32 s5, s19  }
0x9d: {  	s8 =	simm.s32 $0x0;
	s20 =	sshll.u32 s6, $0x1;
	s6 =	sadd.s32 s21, s4  }
0x9e: {  	[timem:s8], [sflag:s22] =	dma.local [hbm:s6], s20  }
0x9f: {  	_ =	swait.ge [sflag:s22], s20  }
0xa0: {  	s5 =	ssub.s32 $0x0, s20;
	[sflag:s22] =	ssyncset.done $0x0  }
0xa1: {  	[sflag:s22] =	ssyncadd.s32 s5;
	_ =	sdelay $0x1  }
0xa2: {  	s23 =	simm.s32 $0x1B8B  }
0xa3: {  	_ =	swait.ge [sflag:s23], $0x1  }
0xa4: {  	[sflag:s23] =	ssyncset.done $0x0  }
0xa5: {  	s25 =	simm.s32 $0x1B8E;
	s24 =	sld [smem:$0x3FFE];
	[sflag:s23] =	ssyncadd.s32 $0xFFFFFFFF  }
0xa6: {  	s26 =	simm.s32 $execute0_lowered;
	[smem:$0x3FD2] =	sst s25  }
0xa7: {  	s6 =	sshll.u32 s26, $0x1;
	_ =	strace $0x80000046;
	[dreg:$0x1] =	wrdreg $0xFFFFFFFF  }
0xa8: {  	s28 =	simm.s32 $_size_execute0_lowered;
	s4 =	sadd.s32 s4, s6;
	[dreg:$0x0] =	wrdreg $0x0  }
0xa9: {  	s6 =	sshll.u32 s28, $0x1;
	[dreg:$0x2] =	wrdreg s4  }
0xaa: {  	[dreg:$0x3] =	wrdreg s6  }
0xab: {  	[dreg:$0x4] =	wrdreg $0xC0  }
0xac: {  	_ =	task [dreg:s8], $0x5FFFF  }
0xad: {  	[dreg:$0x1] =	wrdreg $0xFFFFFFFF  }
0xae: {  	[dreg:$0x0] =	wrdreg $0x60  }
0xaf: {  	[dreg:$0x2] =	wrdreg s2  }
0xb0: {  	[dreg:$0x3] =	wrdreg s24  }
0xb1: {  	[dreg:$0x4] =	wrdreg s18  }
0xb2: {  	[dreg:$0x5] =	wrdreg $0x9  }
0xb3: {  	_ =	task.clear_ibuf [dreg:s8], $0x6FFFF;
	_ =	strace $0x90000046  }
0xb4: {  	s29 =	simm.s32 $0x9;
	_ =	strace $0x80000048  }
0xb5: {  	_ =	swait.ge [sflag:s29], $0x1  }
0xb6: {  	[sflag:s29] =	ssyncadd.s32 $0xFFFFFFFF  }
0xb7: {  	_ =	strace $0x90000048  }
0xb8: {  	_ =	sfence  }
0xb9: {  	s30 =	sld [smem:$0x0];
	_ =	sdelay $0x2  }
0xba: {  	s31 =	sshll.u32 s1, $0xD;
	s1 =	sshrl.u32 s1, $0x2  }
0xbb: {  	s3 =	sand.u32 $0x4000, s31;
	s1 =	sadd.s32 s1, s30  }
0xbc: {  	s0 =	sor.u32 s3, s0;
	s1 =	sshll.u32 s1, $0x11  }
0xbd: {  	s0 =	sor.u32 s1, s0  }
0xbe: {  	s0 =	sadd.s32 $0x8F2B, s0  }
0xbf: {  	[sflag:s0] =	ssyncadd.remote.s32 $0x1  }
0xc0: {  	_ =	sfence.sel $0xFFFF  }
0xc1: {  	[dreg:$0x0] =	wrdreg $0xFFFFFFFF;
	(pc) =	sbr.abs _section_cstart, $3  }
0xc2: {  	[dreg:$0x1] =	wrdreg $0xFFFFFFFF  }
0xc3: {  	_ =	task.clear_ibuf [dreg:s8], $0x2FFFF;
	_ =	strace $0x9FFFFFFF  }
0xc4: {  	(tm) =	ssettm $0x7FFFFFFF  }
0xc5: {  	_ =	shalt  }
tec
execute0_lowered:
.L_overlay_start_1:
0x0: {  	(tag) =	ssettag $0x1  }
0x1: {  	s1 =	rddreg [dreg:$0x0]  }
0x2: {  	s0 =	srdreg.scid;
	s4 =	rddreg [dreg:$0x1]  }
0x3: {  	s10 =	stileid.u32;
	s5 =	rddreg [dreg:$0x2]  }
0x4: {  	s3 =	simm.s32 $0x0;
	s16 =	simm.s32 $0x80;
	s17 =	simm.s32 $0x1C00  }
0x5: {  	s18 =	simm.s32 $0x5C00;
	s28 =	simm.s32 $0x6;
	s29 =	simm.s32 $0x3  }
0x6: {  	s0 =	sand.u32 $0x1, s0;
	s2 =	sshll.u32 s10, $0x1;
	s10 =	smul.u32 $0x64, s10  }
0x7: {  	s2 =	sor.u32 s0, s2;
	s8 =	ssub.s32 $0x2, s0;
	s0 =	smul.u32 $0x32, s0  }
0x8: {  	s30 =	simm.s32 $0x7;
	s31 =	simm.s32 $0x4;
	s6 =	smul.u32 $0x380, s2  }
0x9: {  	s19 =	simm.s32 $0x9;
	[smem:$0x7FF] =	sst s3;
	s7 =	smul.u32 $0x19000, s2  }
0xa: {  	s22 =	sadd.s32 $0x800, s5;
	s2 =	smul.u32 $0xC8000, s2;
	s9 =	sshrl.u32 s8, $0x1  }
0xb: {  	_ =	strace $0x80000047;
	s20 =	ssub.s32 s8, s9;
	s0 =	sadd.s32 s0, s10  }
0xc: {  	s4 =	sadd.s32 s6, s4;
	s21 =	sadd.s32 s5, s7;
	s2 =	sshrl.u32 s2, $0x3  }
0xd: {  	s7 =	sadd.s32 s7, s22;
	s0 =	sshll.u32 s0, $0xB;
	s26 =	smax.u32 s20, $0x1  }
0xe: {  	s20 =	simm.s32 $0x9C00;
	s4 =	sadd.s32 $0x400, s4;
	[dreg:$0x5] =	wrdreg s21  }
0xf: {  	s2 =	sadd.s32 s5, s2;
	[dreg:$0x6] =	wrdreg s7;
	s25 =	sadd.s32 s0, s5  }
0x10: {  	[dreg:$0xa] =	wrdreg s26;
	s0 =	sadd.s32 s22, s0;
	s22 =	simm.s32 $0xDC00  }
0x11: {  	s26 =	simm.s32 $0x2;
	s21 =	simm.s32 $0xA;
	[dreg:$0x4] =	wrdreg s4  }
0x12: {  	s23 =	sadd.s32 $0x17800, s2;
	s24 =	sadd.s32 $0x18000, s2;
	s2 =	sadd.s32 $0x18800, s2  }
0x13: {  	s11 =	sadd.s32 $0x2000, s25;
	s12 =	sadd.s32 $0x1000, s0;
	[dreg:$0x7] =	wrdreg s23  }
0x14: {  	s9 =	sadd.s32 $0x3000, s25;
	s14 =	sadd.s32 $0x2800, s25;
	[dreg:$0x8] =	wrdreg s24  }
0x15: {  	s25 =	simm.s32 $0x11C00;
	s0 =	simm.s32 $0x5;
	[dreg:$0x9] =	wrdreg s2  }
0x16: {  	s23 =	simm.s32 $0x1;
	s2 =	simm.s32 $0x8;
	s24 =	simm.s32 $0x0  }
.LBB2_1:
0x17: {  	s4 =	rddreg [dreg:$0x4];
	s7 =	simm.s32 $0xB  }
0x18: {  	[tilespmem:s3], [sflag:$0xB] =	stream.linear.gather [hbm4b:s4+s3], $0x1900, $0x38;
	[tilespmem:$0x15C00] =	vst v63  }
0x19: {  	_ =	swait.ge [sflag:s7], $0x1900  }
0x1a: {  	[sflag:s7] =	ssyncset.done $0x0  }
0x1b: {  	[sflag:s7] =	ssyncadd.s32 $0xFFFFE700  }
0x1c: {  	[tilespmem:s17], [sflag:$0x1] =	stream.indirect.gather [hbm4b:s1+s16], $0x80, s3, s16, $0xb8;
	[tilespmem:$0x15C00] =	vst v63  }
0x1d: {  	_ = 	snop  }
0x1e: {  	[tilespmem:s18], [sflag:$0x2] =	stream.indirect.gather [hbm4b:s1+s16], $0x80, s16, s16, $0xb8;
	[tilespmem:$0x15C00] =	vst v63  }
0x1f: {  	s8 =	simm.s32 $0x100  }
0x20: {  	[tilespmem:s20], [sflag:$0x3] =	stream.indirect.gather [hbm4b:s1+s16], $0x80, s8, s16, $0xb8;
	[tilespmem:$0x15C00] =	vst v63  }
0x21: {  	s10 =	simm.s32 $0x180  }
0x22: {  	[tilespmem:s22], [sflag:$0x4] =	stream.indirect.gather [hbm4b:s1+s16], $0x80, s10, s16, $0xb8;
	[tilespmem:$0x15C00] =	vst v63  }
0x23: {  	_ =	swait.ge [sflag:s23], $0x4000  }
0x24: {  	[sflag:s23] =	ssyncset.done $0x0  }
0x25: {  	s13 =	rddreg [dreg:$0x5];
	[sflag:s23] =	ssyncadd.s32 $0xFFFFC000  }
0x26: {  	[hbm4b:s13+s3] =	stream.linear.scatter [tilespmem:s17], [sflag:$0x6], $0x4000, $0x38;
	[tilespmem:$0x15C00] =	vst v63  }
0x27: {  	s15 =	simm.s32 $0x200  }
0x28: {  	[tilespmem:s25], [sflag:$0x5] =	stream.indirect.gather [hbm4b:s1+s16], $0x80, s15, s16, $0xb8;
	[tilespmem:$0x15C00] =	vst v63  }
0x29: {  	_ =	swait.ge [sflag:s26], $0x4000  }
0x2a: {  	[sflag:s26] =	ssyncset.done $0x0  }
0x2b: {  	s5 =	rddreg [dreg:$0x6];
	[sflag:s26] =	ssyncadd.s32 $0xFFFFC000  }
0x2c: {  	[hbm4b:s5+s3] =	stream.linear.scatter [tilespmem:s18], [sflag:$0x7], $0x4000, $0x38;
	[tilespmem:$0x15C00] =	vst v63  }
0x2d: {  	_ =	swait.ge [sflag:s28], $0x4000  }
0x2e: {  	[sflag:s28] =	ssyncset.done $0x0  }
0x2f: {  	s6 =	simm.s32 $0x280;
	[sflag:s28] =	ssyncadd.s32 $0xFFFFC000  }
0x30: {  	[tilespmem:s17], [sflag:$0x1] =	stream.indirect.gather [hbm4b:s1+s16], $0x80, s6, s16, $0xb8;
	[tilespmem:$0x15C00] =	vst v63  }
0x31: {  	_ =	swait.ge [sflag:s29], $0x4000  }
0x32: {  	[sflag:s29] =	ssyncset.done $0x0  }
0x33: {  	s7 =	sadd.s32 $0xFFFFF800, s12;
	[sflag:s29] =	ssyncadd.s32 $0xFFFFC000  }
0x34: {  	[hbm4b:s7+s3] =	stream.linear.scatter [tilespmem:s20], [sflag:$0x8], $0x4000, $0x38;
	[tilespmem:$0x15C00] =	vst v63  }
0x35: {  	_ =	swait.ge [sflag:s30], $0x4000  }
0x36: {  	[sflag:s30] =	ssyncset.done $0x0  }
0x37: {  	s8 =	simm.s32 $0x300;
	[sflag:s30] =	ssyncadd.s32 $0xFFFFC000  }
0x38: {  	[tilespmem:s18], [sflag:$0x2] =	stream.indirect.gather [hbm4b:s1+s16], $0x80, s8, s16, $0xb8;
	[tilespmem:$0x15C00] =	vst v63  }
0x39: {  	_ =	swait.ge [sflag:s31], $0x4000  }
0x3a: {  	[sflag:s31] =	ssyncset.done $0x0  }
0x3b: {  	[sflag:s31] =	ssyncadd.s32 $0xFFFFC000  }
0x3c: {  	[hbm4b:s12+s3] =	stream.linear.scatter [tilespmem:s22], [sflag:$0x9], $0x4000, $0x38;
	[tilespmem:$0x15C00] =	vst v63  }
0x3d: {  	_ =	swait.ge [sflag:s2], $0x4000  }
0x3e: {  	[sflag:s2] =	ssyncset.done $0x0  }
0x3f: {  	s10 =	simm.s32 $0x380;
	[sflag:s2] =	ssyncadd.s32 $0xFFFFC000  }
0x40: {  	[tilespmem:s20], [sflag:$0x3] =	stream.indirect.gather [hbm4b:s1+s16], $0x80, s10, s16, $0xb8;
	[tilespmem:$0x15C00] =	vst v63  }
0x41: {  	_ =	swait.ge [sflag:s0], $0x4000  }
0x42: {  	[sflag:s0] =	ssyncset.done $0x0  }
0x43: {  	[sflag:s0] =	ssyncadd.s32 $0xFFFFC000  }
0x44: {  	[hbm4b:s11+s3] =	stream.linear.scatter [tilespmem:s25], [sflag:$0xA], $0x4000, $0x38;
	[tilespmem:$0x15C00] =	vst v63  }
0x45: {  	_ =	swait.ge [sflag:s19], $0x4000  }
0x46: {  	[sflag:s19] =	ssyncset.done $0x0  }
0x47: {  	s13 =	simm.s32 $0x400;
	[sflag:s19] =	ssyncadd.s32 $0xFFFFC000  }
0x48: {  	[tilespmem:s22], [sflag:$0x4] =	stream.indirect.gather [hbm4b:s1+s16], $0x80, s13, s16, $0xb8;
	[tilespmem:$0x15C00] =	vst v63  }
0x49: {  	_ =	swait.ge [sflag:s23], $0x4000  }
0x4a: {  	[sflag:s23] =	ssyncset.done $0x0  }
0x4b: {  	[sflag:s23] =	ssyncadd.s32 $0xFFFFC000  }
0x4c: {  	[hbm4b:s14+s3] =	stream.linear.scatter [tilespmem:s17], [sflag:$0x6], $0x4000, $0x38;
	[tilespmem:$0x15C00] =	vst v63  }
0x4d: {  	_ =	swait.ge [sflag:s21], $0x4000  }
0x4e: {  	[sflag:s21] =	ssyncset.done $0x0  }
0x4f: {  	s15 =	simm.s32 $0x480;
	[sflag:s21] =	ssyncadd.s32 $0xFFFFC000  }
0x50: {  	[tilespmem:s25], [sflag:$0x5] =	stream.indirect.gather [hbm4b:s1+s16], $0x80, s15, s16, $0xb8;
	[tilespmem:$0x15C00] =	vst v63  }
0x51: {  	s4 =	simm.s32 $0xA00;
	s5 =	sadd.s32 $0x2800, s9;
	_ =	swait.ge [sflag:s26], $0x4000  }
0x52: {  	s6 =	sadd.s32 $0x2800, s14;
	s7 =	sadd.s32 $0x2800, s11;
	[sflag:s26] =	ssyncset.done $0x0  }
0x53: {  	s8 =	sadd.s32 $0x2800, s12;
	s13 =	smov.u32 s9;
	[sflag:s26] =	ssyncadd.s32 $0xFFFFC000  }
.LBB2_2:
0x54: {  	[hbm4b:s13+s3] =	stream.linear.scatter [tilespmem:s18], [sflag:$0x7], $0x4000, $0x38;
	[tilespmem:$0x15C00] =	vst v63  }
0x55: {  	s10 =	smov.u32 s4;
	s13 =	smov.u32 s5  }
0x56: {  	p0 =	sne.s32 s4, $0x5000;
	s4 =	sadd.s32 $0xA00, s4;
	_ =	swait.ge [sflag:s28], $0x4000  }
0x57: {  	s10 =	sshra.s32 s10, $0x2;
	[sflag:s28] =	ssyncset.done $0x0  }
0x58: {  	s15 =	sadd.s32 $0x280, s10;
	[sflag:s28] =	ssyncadd.s32 $0xFFFFC000  }
0x59: {  	[tilespmem:s17], [sflag:$0x1] =	stream.indirect.gather [hbm4b:s1+s16], $0x80, s15, s16, $0xb8;
	[tilespmem:$0x15C00] =	vst v63  }
0x5a: {  	_ =	swait.ge [sflag:s29], $0x4000  }
0x5b: {  	[sflag:s29] =	ssyncset.done $0x0  }
0x5c: {  	s15 =	sadd.s32 $0xFFFFF800, s8;
	[sflag:s29] =	ssyncadd.s32 $0xFFFFC000  }
0x5d: {  	[hbm4b:s15+s3] =	stream.linear.scatter [tilespmem:s20], [sflag:$0x8], $0x4000, $0x38;
	[tilespmem:$0x15C00] =	vst v63  }
0x5e: {  	_ =	swait.ge [sflag:s30], $0x4000  }
0x5f: {  	[sflag:s30] =	ssyncset.done $0x0  }
0x60: {  	s15 =	sadd.s32 $0x300, s10;
	[sflag:s30] =	ssyncadd.s32 $0xFFFFC000  }
0x61: {  	[tilespmem:s18], [sflag:$0x2] =	stream.indirect.gather [hbm4b:s1+s16], $0x80, s15, s16, $0xb8;
	[tilespmem:$0x15C00] =	vst v63  }
0x62: {  	_ =	swait.ge [sflag:s31], $0x4000  }
0x63: {  	[sflag:s31] =	ssyncset.done $0x0  }
0x64: {  	[sflag:s31] =	ssyncadd.s32 $0xFFFFC000  }
0x65: {  	[hbm4b:s8+s3] =	stream.linear.scatter [tilespmem:s22], [sflag:$0x9], $0x4000, $0x38;
	[tilespmem:$0x15C00] =	vst v63  }
0x66: {  	_ =	swait.ge [sflag:s2], $0x4000  }
0x67: {  	[sflag:s2] =	ssyncset.done $0x0  }
0x68: {  	s15 =	sadd.s32 $0x380, s10;
	[sflag:s2] =	ssyncadd.s32 $0xFFFFC000  }
0x69: {  	[tilespmem:s20], [sflag:$0x3] =	stream.indirect.gather [hbm4b:s1+s16], $0x80, s15, s16, $0xb8;
	[tilespmem:$0x15C00] =	vst v63  }
0x6a: {  	_ =	swait.ge [sflag:s0], $0x4000  }
0x6b: {  	[sflag:s0] =	ssyncset.done $0x0  }
0x6c: {  	[sflag:s0] =	ssyncadd.s32 $0xFFFFC000  }
0x6d: {  	[hbm4b:s7+s3] =	stream.linear.scatter [tilespmem:s25], [sflag:$0xA], $0x4000, $0x38;
	[tilespmem:$0x15C00] =	vst v63  }
0x6e: {  	_ =	swait.ge [sflag:s19], $0x4000  }
0x6f: {  	[sflag:s19] =	ssyncset.done $0x0  }
0x70: {  	s15 =	sadd.s32 $0x400, s10;
	[sflag:s19] =	ssyncadd.s32 $0xFFFFC000  }
0x71: {  	[tilespmem:s22], [sflag:$0x4] =	stream.indirect.gather [hbm4b:s1+s16], $0x80, s15, s16, $0xb8;
	[tilespmem:$0x15C00] =	vst v63  }
0x72: {  	_ =	swait.ge [sflag:s23], $0x4000  }
0x73: {  	[sflag:s23] =	ssyncset.done $0x0  }
0x74: {  	[sflag:s23] =	ssyncadd.s32 $0xFFFFC000  }
0x75: {  	[hbm4b:s6+s3] =	stream.linear.scatter [tilespmem:s17], [sflag:$0x6], $0x4000, $0x38;
	[tilespmem:$0x15C00] =	vst v63  }
0x76: {  	_ =	swait.ge [sflag:s21], $0x4000  }
0x77: {  	[sflag:s21] =	ssyncset.done $0x0  }
.Ltmp0:
0x78: {  	s10 =	sadd.s32 $0x480, s10;
	[sflag:s21] =	ssyncadd.s32 $0xFFFFC000;
	(pc) =	sbr.rel @p0 .LBB2_2-.Ltmp0, $4  }
0x79: {  	[tilespmem:s25], [sflag:$0x5] =	stream.indirect.gather [hbm4b:s1+s16], $0x80, s10, s16, $0xb8;
	[tilespmem:$0x15C00] =	vst v63  }
0x7a: {  	_ =	swait.ge [sflag:s26], $0x4000  }
0x7b: {  	s5 =	sadd.s32 $0x2800, s5;
	s6 =	sadd.s32 $0x2800, s6;
	[sflag:s26] =	ssyncset.done $0x0  }
0x7c: {  	s8 =	sadd.s32 $0x2800, s8;
	s7 =	sadd.s32 $0x2800, s7;
	[sflag:s26] =	ssyncadd.s32 $0xFFFFC000  }
0x7d: {  	[hbm4b:s13+s3] =	stream.linear.scatter [tilespmem:s18], [sflag:$0x7], $0x4000, $0x38;
	[tilespmem:$0x15C00] =	vst v63  }
0x7e: {  	_ =	swait.ge [sflag:s29], $0x4000  }
0x7f: {  	[sflag:s29] =	ssyncset.done $0x0  }
0x80: {  	s4 =	rddreg [dreg:$0x7];
	[sflag:s29] =	ssyncadd.s32 $0xFFFFC000  }
0x81: {  	[hbm4b:s4+s3] =	stream.linear.scatter [tilespmem:s20], [sflag:$0x8], $0x4000, $0x38;
	[tilespmem:$0x15C00] =	vst v63  }
0x82: {  	_ =	swait.ge [sflag:s31], $0x4000  }
0x83: {  	[sflag:s31] =	ssyncset.done $0x0  }
0x84: {  	s10 =	rddreg [dreg:$0x8];
	[sflag:s31] =	ssyncadd.s32 $0xFFFFC000  }
0x85: {  	[hbm4b:s10+s3] =	stream.linear.scatter [tilespmem:s22], [sflag:$0x9], $0x4000, $0x38;
	[tilespmem:$0x15C00] =	vst v63  }
0x86: {  	_ =	swait.ge [sflag:s0], $0x4000  }
0x87: {  	[sflag:s0] =	ssyncset.done $0x0  }
0x88: {  	s13 =	rddreg [dreg:$0x9];
	[sflag:s0] =	ssyncadd.s32 $0xFFFFC000  }
0x89: {  	[hbm4b:s13+s3] =	stream.linear.scatter [tilespmem:s25], [sflag:$0xA], $0x4000, $0x38;
	[tilespmem:$0x15C00] =	vst v63  }
0x8a: {  	_ =	swait.ge [sflag:s28], $0x4000  }
0x8b: {  	[sflag:s28] =	ssyncset.done $0x0  }
0x8c: {  	[sflag:s28] =	ssyncadd.s32 $0xFFFFC000  }
0x8d: {  	_ =	swait.ge [sflag:s30], $0x4000  }
0x8e: {  	[sflag:s30] =	ssyncset.done $0x0  }
0x8f: {  	[sflag:s30] =	ssyncadd.s32 $0xFFFFC000  }
0x90: {  	_ =	swait.ge [sflag:s2], $0x4000  }
0x91: {  	[sflag:s2] =	ssyncset.done $0x0  }
0x92: {  	[sflag:s2] =	ssyncadd.s32 $0xFFFFC000  }
0x93: {  	_ =	swait.ge [sflag:s19], $0x4000  }
0x94: {  	[sflag:s19] =	ssyncset.done $0x0  }
0x95: {  	[sflag:s19] =	ssyncadd.s32 $0xFFFFC000  }
0x96: {  	_ =	swait.ge [sflag:s21], $0x4000  }
0x97: {  	s24 =	sadd.s32 $0x1, s24;
	s15 =	rddreg [dreg:$0xa]  }
0x98: {  	p0 =	sne.s32 s24, s15  }
.Ltmp1:
0x99: {  	_ = 	snop;
	(pc) =	sbr.rel @p0 .LBB2_1-.Ltmp1, $3  }
0x9a: {  	_ =	sdelay $0x1  }
0x9b: {  	[sflag:s21] =	ssyncset.done $0x0  }
0x9c: {  	[sflag:s21] =	ssyncadd.s32 $0xFFFFC000  }
0x9d: {  	_ =	sfence.sel $0x180000  }
0x9e: {  	[bflag:$0x0] =	sbarrier.arrive $0xFFFF  }
0x9f: {  	_ =	strace $0x90000047  }
0xa0: {  	s0 =	stileid.u32;
	[bflag:$0x2] =	sbarrier.arrive $0xFFFF  }
0xa1: {  	p0 =	sne.s32 s0, $0x0;
	s0 =	rddreg [dreg:$0x3]  }
0xa2: {  	s0 =	sadd.s32 @!p0 $0x100000, s0  }
0xa3: {  	[sflag:s0] =	ssyncadd.tile.s32 @!p0 $0x1;
	_ =	shalt  }
.Lfunc_end2:
_tile_overlayer_lowered:
.L_overlay_start_2:
0xa4: {  	(tag) =	ssettag $0x2  }
0xa5: {  	s0 =	rddreg [dreg:$0x0];
	s2 =	stileid.u32  }
0xa6: {  	s1 =	rddreg [dreg:$0x1];
	p0 =	sne.s32 s2, $0x0  }
0xa7: {  	s3 =	rddreg [dreg:$0x2];
	[bflag:$0x3] =	sbarrier.arrive $0xFFFF;
	s2 =	simm.s32 @!p0 $0x1C0B  }
0xa8: {  	[timem:s3], [sflag:s2] =	dma.local @!p0 [hbm:s0], s1  }
0xa9: {  	s0 =	simm.s32 @!p0 $0xB  }
0xaa: {  	_ =	swait.ge @!p0 [sflag:s0], s1  }
0xab: {  	s1 =	ssub.s32 @!p0 $0x0, s1;
	[sflag:s0] =	ssyncset.done @!p0 $0x0  }
0xac: {  	[sflag:s0] =	ssyncadd.s32 @!p0 s1  }
0xad: {  	[bflag:$0x3] =	sbarrier.arrive $0xFFFF  }
0xae: {  	_ =	shalt  }

</sc_bundles>
